<compile_context>
chip_gen: v7x
topology: tpu7x:2x2x1
jax: 0.10.2.dev20260603
libtpu: 0.0.44.dev20260713+nightly
codegen_flags: <defaults>
</compile_context>

<pallas_src>
import functools

import jax
import jax.numpy as jnp
import numpy as np
from jax.experimental import pallas as pl

_PACK = 8


def _fwd_kernel(x_ref, c_ref, wbd_ref, r_ref, b_ref, y_ref, stats_ref, *, nb):
    step = pl.program_id(0)
    xp = x_ref[...]
    cp = c_ref[...]
    acc = b_ref[...]
    for b in range(nb):
        m = jnp.dot(xp, wbd_ref[b], preferred_element_type=jnp.float32)
        f = jnp.dot(cp, r_ref[b], preferred_element_type=jnp.float32)
        acc = acc + m * f
    y = jnp.maximum(acc, 0.0)
    y_ref[...] = y

    s1 = jnp.sum(y, axis=0, keepdims=True)
    s2 = jnp.sum(y * y, axis=0, keepdims=True)
    block = jnp.concatenate([s1, s2], axis=0)

    @pl.when(step == 0)
    def _():
        stats_ref[...] = jnp.zeros_like(stats_ref)

    stats_ref[...] += block


def _bn_kernel(y_ref, stats_ref, sum_ref, g_ref, be_ref, o_ref, *, n_rows):
    tot = jnp.dot(stats_ref[...], sum_ref[...], preferred_element_type=jnp.float32)
    mean = tot[0:1, :] * (1.0 / n_rows)
    ex2 = tot[1:2, :] * (1.0 / n_rows)
    var = ex2 - mean * mean
    scale = g_ref[...] * jax.lax.rsqrt(var + 1e-3)
    shift = be_ref[...] - mean * scale
    o_ref[...] = y_ref[...] * scale + shift


def kernel(input_texture, bary_coeff, num_texture, weights, biases, bn_gamma, bn_beta):
    nt, cin = input_texture.shape
    nb = bary_coeff.shape[1]
    cout = weights.shape[0]
    lanes = _PACK * cout
    ntp = nt // _PACK

    block = 2048
    nblk = ntp // block

    xp = input_texture.reshape(ntp, _PACK * cin)
    cp = bary_coeff.reshape(ntp, _PACK * nb)

    eye8 = jnp.eye(_PACK, dtype=jnp.float32)
    w_t = jnp.transpose(weights, (2, 1, 0))
    wbd = jax.vmap(lambda wb: jnp.kron(eye8, wb))(w_t)

    r_np = np.zeros((nb, _PACK * nb, lanes), dtype=np.float32)
    for b in range(nb):
        for j in range(_PACK):
            r_np[b, nb * j + b, cout * j : cout * (j + 1)] = 1.0
    r_all = jnp.asarray(r_np)

    s_sum = jnp.tile(jnp.eye(cout, dtype=jnp.float32), (_PACK, _PACK))

    bias_p = jnp.tile(biases.reshape(1, cout), (1, _PACK))
    gamma_p = jnp.tile(bn_gamma.reshape(1, cout), (1, _PACK))
    beta_p = jnp.tile(bn_beta.reshape(1, cout), (1, _PACK))

    y, stats = pl.pallas_call(
        functools.partial(_fwd_kernel, nb=nb),
        grid=(nblk,),
        in_specs=[
            pl.BlockSpec((block, _PACK * cin), lambda i: (i, 0)),
            pl.BlockSpec((block, _PACK * nb), lambda i: (i, 0)),
            pl.BlockSpec((nb, lanes, lanes), lambda i: (0, 0, 0)),
            pl.BlockSpec((nb, _PACK * nb, lanes), lambda i: (0, 0, 0)),
            pl.BlockSpec((1, lanes), lambda i: (0, 0)),
        ],
        out_specs=[
            pl.BlockSpec((block, lanes), lambda i: (i, 0)),
            pl.BlockSpec((2, lanes), lambda i: (0, 0)),
        ],
        out_shape=[
            jax.ShapeDtypeStruct((ntp, lanes), jnp.float32),
            jax.ShapeDtypeStruct((2, lanes), jnp.float32),
        ],
    )(xp, cp, wbd, r_all, bias_p)

    out = pl.pallas_call(
        functools.partial(_bn_kernel, n_rows=float(nt)),
        grid=(nblk,),
        in_specs=[
            pl.BlockSpec((block, lanes), lambda i: (i, 0)),
            pl.BlockSpec((2, lanes), lambda i: (0, 0)),
            pl.BlockSpec((lanes, lanes), lambda i: (0, 0)),
            pl.BlockSpec((1, lanes), lambda i: (0, 0)),
            pl.BlockSpec((1, lanes), lambda i: (0, 0)),
        ],
        out_specs=pl.BlockSpec((block, lanes), lambda i: (i, 0)),
        out_shape=jax.ShapeDtypeStruct((ntp, lanes), jnp.float32),
    )(y, stats, s_sum, gamma_p, beta_p)

    return out.reshape(nt, cout)

# --- scband reference (transcript-rebuilt; emitter-appended) ---
"""Pipeline reference for scband-f2-fconv3d-54640573939773 (READ-ONLY COPY).

The authoritative reference and input builder live on the scoring server;
editing this copy changes nothing except your own understanding.
"""

import jax, jax.numpy as jnp
import numpy as np

NT = 1048576
F = 1048576
CIN = 16
COUT = 16
NB = 4  # (spharm_L+1)**2 with L=1


def setup_inputs(seed: int = 0) -> dict:
    key = jax.random.key(seed)
    k1, k2, k3 = jax.random.split(key, 3)
    input_texture = jax.random.normal(k1, (NT, CIN), dtype=jnp.float32)
    bary_coeff = jax.random.uniform(k2, (NT, NB), dtype=jnp.float32)
    num_texture = jnp.ones((F,), dtype=jnp.int32)
    # xavier_normal_ on [COUT, CIN, NB]: fan_in = CIN*NB, fan_out = COUT*NB
    std = float(np.sqrt(2.0 / (CIN * NB + COUT * NB)))
    weights = jax.random.normal(k3, (COUT, CIN, NB), dtype=jnp.float32) * std
    biases = jnp.zeros((1, COUT), dtype=jnp.float32)
    bn_gamma = jnp.ones((COUT,), dtype=jnp.float32)
    bn_beta = jnp.zeros((COUT,), dtype=jnp.float32)
    return {
        "input_texture": input_texture,
        "bary_coeff": bary_coeff,
        "num_texture": num_texture,
        "weights": weights,
        "biases": biases,
        "bn_gamma": bn_gamma,
        "bn_beta": bn_beta,
    }


def reference(input_texture, bary_coeff, num_texture, weights, biases, bn_gamma, bn_beta):
    f = num_texture.shape[0]
    nt = input_texture.shape[0]
    # facet2facet: per texture point contribution, then mean-reduce per facet
    segment_ids = jnp.repeat(jnp.arange(f, dtype=jnp.int32), num_texture, total_repeat_length=nt)
    contrib = jnp.einsum('ti,tb,oib->to', input_texture, bary_coeff, weights)
    summed = jax.ops.segment_sum(contrib, segment_ids, num_segments=f)
    counts = jnp.maximum(num_texture, 1).astype(jnp.float32)[:, None]
    out = summed / counts
    out = out + biases
    out = jax.nn.relu(out)
    # BatchNorm1d, training mode (batch stats, biased variance), eps=1e-3
    mean = jnp.mean(out, axis=0)
    var = jnp.var(out, axis=0)
    out = (out - mean) / jnp.sqrt(var + 1e-3) * bn_gamma + bn_beta
    return out

if __name__ == "__main__":
    import jax
    _d = setup_inputs()
    print(jax.jit(kernel)(*tuple(_d.values())))

</pallas_src>

<mosaic_0001>
module attributes {stable_mosaic.version = 14 : i64} {
  func.func @_fwd_kernel(%arg0: i32, %arg1: memref<2048x128xf32, #tpu.memory_space<vmem>>, %arg2: memref<2048x32xf32, #tpu.memory_space<vmem>>, %arg3: memref<4x128x128xf32, #tpu.memory_space<vmem>>, %arg4: memref<4x32x128xf32, #tpu.memory_space<vmem>>, %arg5: memref<1x128xf32, #tpu.memory_space<vmem>>, %arg6: memref<2048x128xf32, #tpu.memory_space<vmem>>, %arg7: memref<2x128xf32, #tpu.memory_space<vmem>>) attributes {dimension_semantics = [#tpu.dimension_semantics<arbitrary>], iteration_bounds = array<i64: 64>, scalar_prefetch = 0 : i64, scratch_operands = 0 : i64, tpu.core_type = #tpu.core_type<tc>, window_params = [{transform_indices = @transform_0, window_bounds = array<i64: 2048, 128>}, {transform_indices = @transform_1, window_bounds = array<i64: 2048, 32>}, {pipeline_mode = #tpu.pipeline_mode<synchronous>, transform_indices = @transform_2, window_bounds = array<i64: 4, 128, 128>}, {pipeline_mode = #tpu.pipeline_mode<synchronous>, transform_indices = @transform_3, window_bounds = array<i64: 4, 32, 128>}, {pipeline_mode = #tpu.pipeline_mode<synchronous>, transform_indices = @transform_4, window_bounds = array<i64: 1, 128>}, {transform_indices = @transform_5, window_bounds = array<i64: 2048, 128>}, {pipeline_mode = #tpu.pipeline_mode<synchronous>, transform_indices = @transform_6, window_bounds = array<i64: 2, 128>}]} {
    %get3A = arith.constant 0 : index
    %get3A_0 = arith.constant 0 : index
    %get3A_1 = vector.load %arg1[%get3A, %get3A_0] : memref<2048x128xf32, #tpu.memory_space<vmem>>, vector<2048x128xf32>
    %get3A_2 = arith.constant 0 : index
    %get3A_3 = arith.constant 0 : index
    %get3A_4 = vector.load %arg2[%get3A_2, %get3A_3] : memref<2048x32xf32, #tpu.memory_space<vmem>>, vector<2048x32xf32>
    %get3A_5 = arith.constant 0 : index
    %get3A_6 = arith.constant 0 : index
    %get3A_7 = vector.load %arg5[%get3A_5, %get3A_6] : memref<1x128xf32, #tpu.memory_space<vmem>>, vector<1x128xf32>
    %get3A_8 = arith.constant 0 : index
    %get3A_9 = arith.constant 0 : index
    %get3A_10 = arith.constant 0 : index
    %get3A_11 = vector.load %arg3[%get3A_8, %get3A_9, %get3A_10] : memref<4x128x128xf32, #tpu.memory_space<vmem>>, vector<1x128x128xf32>
    %get3A_12 = vector.shape_cast %get3A_11 : vector<1x128x128xf32> to vector<128x128xf32>
    %dot_general3A = arith.constant dense<0.000000e+00> : vector<2048x128xf32>
    %dot_general3A_13 = tpu.matmul %get3A_1, %get3A_12, %dot_general3A {dimension_numbers = #tpu.dot_dimension_numbers<[1], [0], [0], [1], [0, 0, 1, 1], [], []>, transpose_lhs_hint = false} : vector<2048x128xf32>, vector<128x128xf32>, vector<2048x128xf32> -> vector<2048x128xf32>
    %get3A_14 = arith.constant 0 : index
    %get3A_15 = arith.constant 0 : index
    %get3A_16 = arith.constant 0 : index
    %get3A_17 = vector.load %arg4[%get3A_14, %get3A_15, %get3A_16] : memref<4x32x128xf32, #tpu.memory_space<vmem>>, vector<1x32x128xf32>
    %get3A_18 = vector.shape_cast %get3A_17 : vector<1x32x128xf32> to vector<32x128xf32>
    %dot_general3A_19 = arith.constant dense<0.000000e+00> : vector<2048x128xf32>
    %dot_general3A_20 = tpu.matmul %get3A_4, %get3A_18, %dot_general3A_19 {dimension_numbers = #tpu.dot_dimension_numbers<[1], [0], [0], [1], [0, 0, 1, 1], [], []>, transpose_lhs_hint = false} : vector<2048x32xf32>, vector<32x128xf32>, vector<2048x128xf32> -> vector<2048x128xf32>
    %mul3A = arith.mulf %dot_general3A_13, %dot_general3A_20 : vector<2048x128xf32>
    %add3A = vector.broadcast %get3A_7 : vector<1x128xf32> to vector<2048x128xf32>
    %add3A_21 = arith.addf %add3A, %mul3A : vector<2048x128xf32>
    %get3A_22 = arith.constant 1 : index
    %get3A_23 = arith.constant 0 : index
    %get3A_24 = arith.constant 0 : index
    %get3A_25 = vector.load %arg3[%get3A_22, %get3A_23, %get3A_24] : memref<4x128x128xf32, #tpu.memory_space<vmem>>, vector<1x128x128xf32>
    %get3A_26 = vector.shape_cast %get3A_25 : vector<1x128x128xf32> to vector<128x128xf32>
    %dot_general3A_27 = arith.constant dense<0.000000e+00> : vector<2048x128xf32>
    %dot_general3A_28 = tpu.matmul %get3A_1, %get3A_26, %dot_general3A_27 {dimension_numbers = #tpu.dot_dimension_numbers<[1], [0], [0], [1], [0, 0, 1, 1], [], []>, transpose_lhs_hint = false} : vector<2048x128xf32>, vector<128x128xf32>, vector<2048x128xf32> -> vector<2048x128xf32>
    %get3A_29 = arith.constant 1 : index
    %get3A_30 = arith.constant 0 : index
    %get3A_31 = arith.constant 0 : index
    %get3A_32 = vector.load %arg4[%get3A_29, %get3A_30, %get3A_31] : memref<4x32x128xf32, #tpu.memory_space<vmem>>, vector<1x32x128xf32>
    %get3A_33 = vector.shape_cast %get3A_32 : vector<1x32x128xf32> to vector<32x128xf32>
    %dot_general3A_34 = arith.constant dense<0.000000e+00> : vector<2048x128xf32>
    %dot_general3A_35 = tpu.matmul %get3A_4, %get3A_33, %dot_general3A_34 {dimension_numbers = #tpu.dot_dimension_numbers<[1], [0], [0], [1], [0, 0, 1, 1], [], []>, transpose_lhs_hint = false} : vector<2048x32xf32>, vector<32x128xf32>, vector<2048x128xf32> -> vector<2048x128xf32>
    %mul3A_36 = arith.mulf %dot_general3A_28, %dot_general3A_35 : vector<2048x128xf32>
    %add3A_37 = arith.addf %add3A_21, %mul3A_36 : vector<2048x128xf32>
    %get3A_38 = arith.constant 2 : index
    %get3A_39 = arith.constant 0 : index
    %get3A_40 = arith.constant 0 : index
    %get3A_41 = vector.load %arg3[%get3A_38, %get3A_39, %get3A_40] : memref<4x128x128xf32, #tpu.memory_space<vmem>>, vector<1x128x128xf32>
    %get3A_42 = vector.shape_cast %get3A_41 : vector<1x128x128xf32> to vector<128x128xf32>
    %dot_general3A_43 = arith.constant dense<0.000000e+00> : vector<2048x128xf32>
    %dot_general3A_44 = tpu.matmul %get3A_1, %get3A_42, %dot_general3A_43 {dimension_numbers = #tpu.dot_dimension_numbers<[1], [0], [0], [1], [0, 0, 1, 1], [], []>, transpose_lhs_hint = false} : vector<2048x128xf32>, vector<128x128xf32>, vector<2048x128xf32> -> vector<2048x128xf32>
    %get3A_45 = arith.constant 2 : index
    %get3A_46 = arith.constant 0 : index
    %get3A_47 = arith.constant 0 : index
    %get3A_48 = vector.load %arg4[%get3A_45, %get3A_46, %get3A_47] : memref<4x32x128xf32, #tpu.memory_space<vmem>>, vector<1x32x128xf32>
    %get3A_49 = vector.shape_cast %get3A_48 : vector<1x32x128xf32> to vector<32x128xf32>
    %dot_general3A_50 = arith.constant dense<0.000000e+00> : vector<2048x128xf32>
    %dot_general3A_51 = tpu.matmul %get3A_4, %get3A_49, %dot_general3A_50 {dimension_numbers = #tpu.dot_dimension_numbers<[1], [0], [0], [1], [0, 0, 1, 1], [], []>, transpose_lhs_hint = false} : vector<2048x32xf32>, vector<32x128xf32>, vector<2048x128xf32> -> vector<2048x128xf32>
    %mul3A_52 = arith.mulf %dot_general3A_44, %dot_general3A_51 : vector<2048x128xf32>
    %add3A_53 = arith.addf %add3A_37, %mul3A_52 : vector<2048x128xf32>
    %get3A_54 = arith.constant 3 : index
    %get3A_55 = arith.constant 0 : index
    %get3A_56 = arith.constant 0 : index
    %get3A_57 = vector.load %arg3[%get3A_54, %get3A_55, %get3A_56] : memref<4x128x128xf32, #tpu.memory_space<vmem>>, vector<1x128x128xf32>
    %get3A_58 = vector.shape_cast %get3A_57 : vector<1x128x128xf32> to vector<128x128xf32>
    %dot_general3A_59 = arith.constant dense<0.000000e+00> : vector<2048x128xf32>
    %dot_general3A_60 = tpu.matmul %get3A_1, %get3A_58, %dot_general3A_59 {dimension_numbers = #tpu.dot_dimension_numbers<[1], [0], [0], [1], [0, 0, 1, 1], [], []>, transpose_lhs_hint = false} : vector<2048x128xf32>, vector<128x128xf32>, vector<2048x128xf32> -> vector<2048x128xf32>
    %get3A_61 = arith.constant 3 : index
    %get3A_62 = arith.constant 0 : index
    %get3A_63 = arith.constant 0 : index
    %get3A_64 = vector.load %arg4[%get3A_61, %get3A_62, %get3A_63] : memref<4x32x128xf32, #tpu.memory_space<vmem>>, vector<1x32x128xf32>
    %get3A_65 = vector.shape_cast %get3A_64 : vector<1x32x128xf32> to vector<32x128xf32>
    %dot_general3A_66 = arith.constant dense<0.000000e+00> : vector<2048x128xf32>
    %dot_general3A_67 = tpu.matmul %get3A_4, %get3A_65, %dot_general3A_66 {dimension_numbers = #tpu.dot_dimension_numbers<[1], [0], [0], [1], [0, 0, 1, 1], [], []>, transpose_lhs_hint = false} : vector<2048x32xf32>, vector<32x128xf32>, vector<2048x128xf32> -> vector<2048x128xf32>
    %mul3A_68 = arith.mulf %dot_general3A_60, %dot_general3A_67 : vector<2048x128xf32>
    %add3A_69 = arith.addf %add3A_53, %mul3A_68 : vector<2048x128xf32>
    %max3A = arith.constant 0.000000e+00 : f32
    %max3A_70 = vector.broadcast %max3A : f32 to vector<2048x128xf32>
    %max3A_71 = arith.maximumf %add3A_69, %max3A_70 : vector<2048x128xf32>
    %swap3A = arith.constant 0 : index
    %swap3A_72 = arith.constant 0 : index
    %swap3A_73 = vector.load %arg6[%swap3A, %swap3A_72] : memref<2048x128xf32, #tpu.memory_space<vmem>>, vector<2048x128xf32>
    tpu.vector_store %arg6[%swap3A, %swap3A_72], %max3A_71 {strides = array<i32>} : memref<2048x128xf32, #tpu.memory_space<vmem>>, vector<2048x128xf32>,
    %reduce_sum3A = arith.constant dense<0.000000e+00> : vector<128xf32>
    %reduce_sum3A_74 = vector.multi_reduction <add>, %max3A_71, %reduce_sum3A [0] : vector<2048x128xf32> to vector<128xf32>
    %broadcast_in_dim3A = vector.shape_cast %reduce_sum3A_74 : vector<128xf32> to vector<1x128xf32>
    %mul3A_75 = arith.mulf %max3A_71, %max3A_71 : vector<2048x128xf32>
    %reduce_sum3A_76 = arith.constant dense<0.000000e+00> : vector<128xf32>
    %reduce_sum3A_77 = vector.multi_reduction <add>, %mul3A_75, %reduce_sum3A_76 [0] : vector<2048x128xf32> to vector<128xf32>
    %broadcast_in_dim3A_78 = vector.shape_cast %reduce_sum3A_77 : vector<128xf32> to vector<1x128xf32>
    %concatenate3A = tpu.concatenate %broadcast_in_dim3A, %broadcast_in_dim3A_78 in 0 : vector<1x128xf32>, vector<1x128xf32> -> vector<2x128xf32>
    %eq3A = arith.constant 0 : i32
    %eq3A_79 = arith.cmpi eq, %arg0, %eq3A : i32
    %convert_element_type3A = arith.extui %eq3A_79 : i1 to i32
    %cond3A = arith.constant 0 : i32
    %cond3A_80 = arith.cmpi ne, %convert_element_type3A, %cond3A : i32
    scf.if %cond3A_80 {
      %broadcast_in_dim3A_88 = arith.constant 0.000000e+00 : f32
      %broadcast_in_dim3A_89 = vector.broadcast %broadcast_in_dim3A_88 : f32 to vector<2x128xf32>
      %swap3A_90 = arith.constant 0 : index
      %swap3A_91 = arith.constant 0 : index
      %swap3A_92 = vector.load %arg7[%swap3A_90, %swap3A_91] : memref<2x128xf32, #tpu.memory_space<vmem>>, vector<2x128xf32>
      tpu.vector_store %arg7[%swap3A_90, %swap3A_91], %broadcast_in_dim3A_89 {strides = array<i32>} : memref<2x128xf32, #tpu.memory_space<vmem>>, vector<2x128xf32>,
    } else {
    }
    %get3A_81 = arith.constant 0 : index
    %get3A_82 = arith.constant 0 : index
    %get3A_83 = vector.load %arg7[%get3A_81, %get3A_82] : memref<2x128xf32, #tpu.memory_space<vmem>>, vector<2x128xf32>
    %add3A_84 = arith.addf %get3A_83, %concatenate3A : vector<2x128xf32>
    %swap3A_85 = arith.constant 0 : index
    %swap3A_86 = arith.constant 0 : index
    %swap3A_87 = vector.load %arg7[%swap3A_85, %swap3A_86] : memref<2x128xf32, #tpu.memory_space<vmem>>, vector<2x128xf32>
    tpu.vector_store %arg7[%swap3A_85, %swap3A_86], %add3A_84 {strides = array<i32>} : memref<2x128xf32, #tpu.memory_space<vmem>>, vector<2x128xf32>,
    return
  }
  func.func @transform_0(%arg0: i32) -> (i32, i32) {
    %c0_i32 = arith.constant 0 : i32
    %c0_i32_0 = arith.constant 0 : i32
    return %arg0, %c0_i32 : i32, i32
  }
  func.func @transform_1(%arg0: i32) -> (i32, i32) {
    %c0_i32 = arith.constant 0 : i32
    %c0_i32_0 = arith.constant 0 : i32
    return %arg0, %c0_i32 : i32, i32
  }
  func.func @transform_2(%arg0: i32) -> (i32, i32, i32) {
    %c0_i32 = arith.constant 0 : i32
    %c0_i32_0 = arith.constant 0 : i32
    %c0_i32_1 = arith.constant 0 : i32
    %c0_i32_2 = arith.constant 0 : i32
    return %c0_i32, %c0_i32_0, %c0_i32_1 : i32, i32, i32
  }
  func.func @transform_3(%arg0: i32) -> (i32, i32, i32) {
    %c0_i32 = arith.constant 0 : i32
    %c0_i32_0 = arith.constant 0 : i32
    %c0_i32_1 = arith.constant 0 : i32
    %c0_i32_2 = arith.constant 0 : i32
    return %c0_i32, %c0_i32_0, %c0_i32_1 : i32, i32, i32
  }
  func.func @transform_4(%arg0: i32) -> (i32, i32) {
    %c0_i32 = arith.constant 0 : i32
    %c0_i32_0 = arith.constant 0 : i32
    %c0_i32_1 = arith.constant 0 : i32
    return %c0_i32, %c0_i32_0 : i32, i32
  }
  func.func @transform_5(%arg0: i32) -> (i32, i32) {
    %c0_i32 = arith.constant 0 : i32
    %c0_i32_0 = arith.constant 0 : i32
    return %arg0, %c0_i32 : i32, i32
  }
  func.func @transform_6(%arg0: i32) -> (i32, i32) {
    %c0_i32 = arith.constant 0 : i32
    %c0_i32_0 = arith.constant 0 : i32
    %c0_i32_1 = arith.constant 0 : i32
    return %c0_i32, %c0_i32_0 : i32, i32
  }
}

module attributes {stable_mosaic.version = 14 : i64} {
  func.func @_bn_kernel(%arg0: i32, %arg1: memref<2048x128xf32, #tpu.memory_space<vmem>>, %arg2: memref<2x128xf32, #tpu.memory_space<vmem>>, %arg3: memref<128x128xf32, #tpu.memory_space<vmem>>, %arg4: memref<1x128xf32, #tpu.memory_space<vmem>>, %arg5: memref<1x128xf32, #tpu.memory_space<vmem>>, %arg6: memref<2048x128xf32, #tpu.memory_space<vmem>>) attributes {dimension_semantics = [#tpu.dimension_semantics<arbitrary>], iteration_bounds = array<i64: 64>, scalar_prefetch = 0 : i64, scratch_operands = 0 : i64, tpu.core_type = #tpu.core_type<tc>, window_params = [{transform_indices = @transform_0, window_bounds = array<i64: 2048, 128>}, {pipeline_mode = #tpu.pipeline_mode<synchronous>, transform_indices = @transform_1, window_bounds = array<i64: 2, 128>}, {pipeline_mode = #tpu.pipeline_mode<synchronous>, transform_indices = @transform_2, window_bounds = array<i64: 128, 128>}, {pipeline_mode = #tpu.pipeline_mode<synchronous>, transform_indices = @transform_3, window_bounds = array<i64: 1, 128>}, {pipeline_mode = #tpu.pipeline_mode<synchronous>, transform_indices = @transform_4, window_bounds = array<i64: 1, 128>}, {transform_indices = @transform_5, window_bounds = array<i64: 2048, 128>}]} {
    %get3A = arith.constant 0 : index
    %get3A_0 = arith.constant 0 : index
    %get3A_1 = vector.load %arg2[%get3A, %get3A_0] : memref<2x128xf32, #tpu.memory_space<vmem>>, vector<2x128xf32>
    %get3A_2 = arith.constant 0 : index
    %get3A_3 = arith.constant 0 : index
    %get3A_4 = vector.load %arg3[%get3A_2, %get3A_3] : memref<128x128xf32, #tpu.memory_space<vmem>>, vector<128x128xf32>
    %dot_general3A = arith.constant dense<0.000000e+00> : vector<2x128xf32>
    %dot_general3A_5 = tpu.matmul %get3A_1, %get3A_4, %dot_general3A {dimension_numbers = #tpu.dot_dimension_numbers<[1], [0], [0], [1], [0, 0, 1, 1], [], []>, transpose_lhs_hint = false} : vector<2x128xf32>, vector<128x128xf32>, vector<2x128xf32> -> vector<2x128xf32>
    %slice3A = vector.extract_strided_slice %dot_general3A_5 {offsets = [0, 0], sizes = [1, 128], strides = [1, 1]} : vector<2x128xf32> to vector<1x128xf32>
    %mul3A = arith.constant 9.53674316E-7 : f32
    %mul3A_6 = vector.broadcast %mul3A : f32 to vector<1x128xf32>
    %mul3A_7 = arith.mulf %slice3A, %mul3A_6 : vector<1x128xf32>
    %slice3A_8 = vector.extract_strided_slice %dot_general3A_5 {offsets = [1, 0], sizes = [1, 128], strides = [1, 1]} : vector<2x128xf32> to vector<1x128xf32>
    %mul3A_9 = arith.constant 9.53674316E-7 : f32
    %mul3A_10 = vector.broadcast %mul3A_9 : f32 to vector<1x128xf32>
    %mul3A_11 = arith.mulf %slice3A_8, %mul3A_10 : vector<1x128xf32>
    %mul3A_12 = arith.mulf %mul3A_7, %mul3A_7 : vector<1x128xf32>
    %sub3A = arith.subf %mul3A_11, %mul3A_12 : vector<1x128xf32>
    %get3A_13 = arith.constant 0 : index
    %get3A_14 = arith.constant 0 : index
    %get3A_15 = vector.load %arg4[%get3A_13, %get3A_14] : memref<1x128xf32, #tpu.memory_space<vmem>>, vector<1x128xf32>
    %add3A = arith.constant 1.000000e-03 : f32
    %add3A_16 = vector.broadcast %add3A : f32 to vector<1x128xf32>
    %add3A_17 = arith.addf %sub3A, %add3A_16 : vector<1x128xf32>
    %rsqrt3A = math.rsqrt %add3A_17 : vector<1x128xf32>
    %mul3A_18 = arith.mulf %get3A_15, %rsqrt3A : vector<1x128xf32>
    %get3A_19 = arith.constant 0 : index
    %get3A_20 = arith.constant 0 : index
    %get3A_21 = vector.load %arg5[%get3A_19, %get3A_20] : memref<1x128xf32, #tpu.memory_space<vmem>>, vector<1x128xf32>
    %mul3A_22 = arith.mulf %mul3A_7, %mul3A_18 : vector<1x128xf32>
    %sub3A_23 = arith.subf %get3A_21, %mul3A_22 : vector<1x128xf32>
    %get3A_24 = arith.constant 0 : index
    %get3A_25 = arith.constant 0 : index
    %get3A_26 = vector.load %arg1[%get3A_24, %get3A_25] : memref<2048x128xf32, #tpu.memory_space<vmem>>, vector<2048x128xf32>
    %mul3A_27 = vector.broadcast %mul3A_18 : vector<1x128xf32> to vector<2048x128xf32>
    %mul3A_28 = arith.mulf %get3A_26, %mul3A_27 : vector<2048x128xf32>
    %add3A_29 = vector.broadcast %sub3A_23 : vector<1x128xf32> to vector<2048x128xf32>
    %add3A_30 = arith.addf %mul3A_28, %add3A_29 : vector<2048x128xf32>
    %swap3A = arith.constant 0 : index
    %swap3A_31 = arith.constant 0 : index
    %swap3A_32 = vector.load %arg6[%swap3A, %swap3A_31] : memref<2048x128xf32, #tpu.memory_space<vmem>>, vector<2048x128xf32>
    tpu.vector_store %arg6[%swap3A, %swap3A_31], %add3A_30 {strides = array<i32>} : memref<2048x128xf32, #tpu.memory_space<vmem>>, vector<2048x128xf32>,
    return
  }
  func.func @transform_0(%arg0: i32) -> (i32, i32) {
    %c0_i32 = arith.constant 0 : i32
    %c0_i32_0 = arith.constant 0 : i32
    return %arg0, %c0_i32 : i32, i32
  }
  func.func @transform_1(%arg0: i32) -> (i32, i32) {
    %c0_i32 = arith.constant 0 : i32
    %c0_i32_0 = arith.constant 0 : i32
    %c0_i32_1 = arith.constant 0 : i32
    return %c0_i32, %c0_i32_0 : i32, i32
  }
  func.func @transform_2(%arg0: i32) -> (i32, i32) {
    %c0_i32 = arith.constant 0 : i32
    %c0_i32_0 = arith.constant 0 : i32
    %c0_i32_1 = arith.constant 0 : i32
    return %c0_i32, %c0_i32_0 : i32, i32
  }
  func.func @transform_3(%arg0: i32) -> (i32, i32) {
    %c0_i32 = arith.constant 0 : i32
    %c0_i32_0 = arith.constant 0 : i32
    %c0_i32_1 = arith.constant 0 : i32
    return %c0_i32, %c0_i32_0 : i32, i32
  }
  func.func @transform_4(%arg0: i32) -> (i32, i32) {
    %c0_i32 = arith.constant 0 : i32
    %c0_i32_0 = arith.constant 0 : i32
    %c0_i32_1 = arith.constant 0 : i32
    return %c0_i32, %c0_i32_0 : i32, i32
  }
  func.func @transform_5(%arg0: i32) -> (i32, i32) {
    %c0_i32 = arith.constant 0 : i32
    %c0_i32_0 = arith.constant 0 : i32
    return %arg0, %c0_i32 : i32, i32
  }
}

</mosaic_0001>

<sc_bundles>
// kernel: sparse-core-data-format-call.cloned.1.call-start
scs
called_computation_lowered:
.L_overlay_start_0:
0x0: {  	s2 =	sld [smem:$0x3FD9]  }
0x1: {  	s3 =	sld [smem:$0x3FFE];
	_ =	sdelay $0x1  }
0x2: {  	s1 =	srdreg.scid  }
0x3: {  	s0 =	sand.u32 $0x1, s1  }
0x4: {  	s18 =	sshll.u32 s0, $0xA;
	s2 =	sadd.s32 s3, s2  }
0x5: {  	s2 =	sadd.s32 s2, s18  }
0x6: {  	[smem:$0x3FC2] =	sst s2  }
0x7: {  	_ = 	snop  }
0x8: {  	s2 =	sld [smem:$0x3FD0];
	(tm) =	ssettm $0x1  }
0x9: {  	s19 =	sld [smem:$0x3FFB];
	_ =	sdelay $0x3  }
0xa: {  	_ =	strace s19  }
0xb: {  	s3 =	sld [smem:$0x3FFC];
	_ =	sdelay $0x3  }
0xc: {  	_ =	strace s3  }
0xd: {  	s3 =	sld [smem:$0x3FFD];
	_ =	sdelay $0x3  }
0xe: {  	_ =	strace s3  }
0xf: {  	_ =	strace $0x8FFFFFFF  }
0x10: {  	s20 =	sld [smem:$0x3FDB];
	_ =	sdelay $0x1  }
0x11: {  	s4 =	simm.s32 $_scs_section_size  }
0x12: {  	s5 =	simm.s32 $_size__tile_overlayer_lowered;
	s6 =	simm.s32 $_tile_overlayer_lowered  }
0x13: {  	s23 =	simm.s32 $0x1BFF;
	s22 =	sshll.u32 s6, $0x1;
	s3 =	sadd.s32 s4, s20  }
0x14: {  	s7 =	simm.s32 $0x0;
	s21 =	sshll.u32 s5, $0x1;
	s5 =	sadd.s32 s22, s3  }
0x15: {  	[timem:s7], [sflag:s23] =	dma.local [hbm:s5], s21  }
0x16: {  	_ =	swait.ge [sflag:s23], s21  }
0x17: {  	s4 =	ssub.s32 $0x0, s21;
	[sflag:s23] =	ssyncset.done $0x0  }
0x18: {  	[sflag:s23] =	ssyncadd.s32 s4;
	_ =	sdelay $0x1  }
0x19: {  	s24 =	simm.s32 $0x1B8B  }
0x1a: {  	_ =	swait.ge [sflag:s24], $0x1  }
0x1b: {  	[sflag:s24] =	ssyncset.done $0x0  }
0x1c: {  	s26 =	simm.s32 $0x1B8E;
	s25 =	sld [smem:$0x3FFE];
	[sflag:s24] =	ssyncadd.s32 $0xFFFFFFFF  }
0x1d: {  	s27 =	simm.s32 $execute0_lowered;
	[smem:$0x3FD2] =	sst s26  }
0x1e: {  	s5 =	sshll.u32 s27, $0x1;
	_ =	strace $0x80000046;
	[dreg:$0x1] =	wrdreg $0xFFFFFFFF  }
0x1f: {  	s28 =	simm.s32 $_size_execute0_lowered;
	s3 =	sadd.s32 s3, s5;
	[dreg:$0x0] =	wrdreg $0x0  }
0x20: {  	s5 =	sshll.u32 s28, $0x1;
	[dreg:$0x2] =	wrdreg s3  }
0x21: {  	[dreg:$0x3] =	wrdreg s5  }
0x22: {  	[dreg:$0x4] =	wrdreg $0xC0  }
0x23: {  	_ =	task [dreg:s7], $0x5FFFF  }
0x24: {  	[dreg:$0x1] =	wrdreg $0xFFFFFFFF  }
0x25: {  	[dreg:$0x0] =	wrdreg $0x60  }
0x26: {  	[dreg:$0x2] =	wrdreg s25  }
0x27: {  	[dreg:$0x3] =	wrdreg s2  }
0x28: {  	[dreg:$0x4] =	wrdreg $0x9  }
0x29: {  	_ =	task.clear_ibuf [dreg:s7], $0x5FFFF;
	_ =	strace $0x90000046  }
0x2a: {  	s29 =	simm.s32 $0x9;
	_ =	strace $0x80000048  }
0x2b: {  	_ =	swait.ge [sflag:s29], $0x1  }
0x2c: {  	[sflag:s29] =	ssyncadd.s32 $0xFFFFFFFF  }
0x2d: {  	_ =	strace $0x90000048  }
0x2e: {  	_ =	sfence  }
0x2f: {  	s30 =	sld [smem:$0x0];
	_ =	sdelay $0x2  }
0x30: {  	s31 =	sshll.u32 s1, $0xD;
	s1 =	sshrl.u32 s1, $0x2  }
0x31: {  	s3 =	sand.u32 $0x4000, s31;
	s1 =	sadd.s32 s1, s30  }
0x32: {  	s0 =	sor.u32 s3, s0;
	s1 =	sshll.u32 s1, $0x11  }
0x33: {  	s0 =	sor.u32 s1, s0  }
0x34: {  	s0 =	sadd.s32 $0x8F2B, s0  }
0x35: {  	[sflag:s0] =	ssyncadd.remote.s32 $0x1  }
0x36: {  	_ =	sfence.sel $0xFFFF  }
0x37: {  	[dreg:$0x0] =	wrdreg $0xFFFFFFFF;
	(pc) =	sbr.abs _section_cstart, $3  }
0x38: {  	[dreg:$0x1] =	wrdreg $0xFFFFFFFF  }
0x39: {  	_ =	task.clear_ibuf [dreg:s7], $0x2FFFF;
	_ =	strace $0x9FFFFFFF  }
0x3a: {  	(tm) =	ssettm $0x7FFFFFFF  }
0x3b: {  	_ =	shalt  }
tec
execute0_lowered:
.L_overlay_start_1:
0x0: {  	(tag) =	ssettag $0x1  }
0x1: {  	s0 =	srdreg.scid  }
0x2: {  	s1 =	sshll.u32 s0, $0x4  }
0x3: {  	s4 =	rddreg [dreg:$0x0];
	s0 =	stileid.u32;
	s1 =	sand.u32 $0x10, s1  }
0x4: {  	s2 =	rddreg [dreg:$0x1];
	s7 =	simm.s32 $0x1;
	s1 =	sor.u32 s0, s1  }
0x5: {  	s8 =	simm.s32 $0x2;
	s11 =	simm.s32 $0x0;
	s3 =	sshll.u32 s1, $0x7  }
0x6: {  	s10 =	simm.s32 $0x0;
	s4 =	sadd.s32 $0x1600, s4;
	s6 =	ssub.s32 $0x100000, s3  }
.Ltmp0:
0x7: {  	s1 =	rddreg [dreg:$0x2];
	s5 =	sand.u32 $0xF80, s6;
	(pc) =	sbr.rel .LBB1_1-.Ltmp0, $4  }
0x8: {  	_ =	strace $0x80000047;
	s9 =	smov.u32 s3;
	p0 =	sne.s32 s5, $0x0  }
0x9: {  	s6 =	sshrl.u32 s6, $0xC;
	s5 =	simm.s32 $0x1;
	s7 =	simm.s32 @!p0 $0x0  }
0xa: {  	[sflag:s5] =	ssyncpa.u1 $0x0;
	p0 =	por $0x0, $0x0;
	s6 =	sadd.s32 s7, s6  }
0xb: {  	[sflag:s8] =	ssyncpa.u1 $0x0;
	s8 =	simm.s32 $0x800000;
	s7 =	sadd.s32 $0x1, s6  }
.LBB1_4:
0xc: {  	[tilespmem:s12+$0xFFFFFFFC ss:$0x81] =	vst.msk $0xffff, v2;
	s14 =	sshll.u32 s11, $0x3  }
0xd: {  	[tilespmem:s12+$0xFFFFFFFD ss:$0x81] =	vst.msk $0xffff, v3;
	s15 =	sand.u32 $0x78, s11;
	s14 =	sand.u32 $0xFFC00, s14  }
0xe: {  	[tilespmem:s12+$0xFFFFFFFE ss:$0x81] =	vst.msk $0xffff, v1;
	s29 =	sand.u32 $0x1E0000, s11;
	s30 =	sand.u32 $0x7, s11;
	s14 =	sor.u32 s15, s14  }
0xf: {  	[tilespmem:s12+$0xFFFFFFFF ss:$0x81] =	vst.msk $0xffff, v4;
	s11 =	sshll.u32 s30, $0x12;
	s15 =	sadd.s32 s2, s29;
	s14 =	sshrl.u32 s14, $0x3  }
0x10: {  	[tilespmem:s12+$0xFFFFFFF9 ss:$0x81] =	vst.msk $0xffff, v0;
	s11 =	sor.u32 $0x400, s11;
	s31 =	sadd.s32 s14, s15  }
0x11: {  	[hbm4b:s31+s11] =	stream.strided.scatter [tilespmem:s13], [sflag:$0x2], $0x800, s8, s11, $0x20;
	[tilespmem:$0x2020] =	vst v63  }
.LBB1_5:
0x12: {  	s13 =	sadd.s32 $0x1000, s9  }
0x13: {  	p2 =	sgt.s32 s13, $0xFFFFF  }
0x14: {  	s13 =	smov.u32 @p2 s3;
	p2 =	sne.s32 s10, s7  }
.Ltmp1:
0x15: {  	p1 =	slt.u32 s10, $0x2;
	(pc) =	sbr.rel @!p2 .LBB1_6-.Ltmp1, $4  }
0x16: {  	s12 =	simm.s32 @!p1 $0x2  }
0x17: {  	s14 =	sadd.s32 $0x1, s10;
	_ =	swait.ge @!p1 [sflag:s12], $0x800  }
0x18: {  	s11 =	smov.u32 s9;
	p0 =	por !p0, !p0;
	[sflag:s12] =	ssyncset.done @!p1 $0x0  }
0x19: {  	s10 =	smov.u32 s14;
	s9 =	smov.u32 s13;
	[sflag:s12] =	ssyncadd.s32 @!p1 $0xFFFFF800  }
.LBB1_1:
0x1a: {  	p1 =	sge.u32 s10, s6  }
0x1b: {  	s31 =	sadd.s32 $0xFFFFFFFF, s10;
	s12 =	sxor.u32 @!p1 $0xFFFFFFFF, s10;
	s13 =	sshll.u32 @!p1 s9, $0x4  }
0x1c: {  	s14 =	simm.s32 @!p1 $0x10;
	s12 =	sshll.u32 @!p1 s12, $0xB;
	s13 =	sand.u32 @!p1 $0xFFFFF0, s13  }
0x1d: {  	s15 =	simm.s32 @!p1 $0x80;
	s12 =	sand.u32 @!p1 $0x800, s12;
	s13 =	sadd.s32 @!p1 s4, s13  }
0x1e: {  	[tilespmem:s12], [sflag:$0x1] =	stream.strided.gather @!p1 [hbm4b:s13+s14], $0x800, s15, s14, $0x38;
	[tilespmem:$0x2020] =	vst v63  }
0x1f: {  	p1 =	sge.u32 s31, s6  }
.Ltmp2:
0x20: {  	_ = 	snop;
	(pc) =	sbr.rel @p1 .LBB1_5-.Ltmp2, $1  }
0x21: {  	_ =	sdelay $0x3  }
0x22: {  	s12 =	simm.s32 $0x1  }
0x23: {  	_ =	swait.ge [sflag:s5], $0x800;
	s12 =	simm.s32 @!p0 $0x0  }
0x24: {  	[sflag:s5] =	ssyncset.done $0x0;
	s13 =	sshll.u32 s12, $0xB  }
0x25: {  	[sflag:s5] =	ssyncadd.s32 $0xFFFFF800;
	s15 =	sor.u32 $0x40, s13  }
0x26: {  	v0 =	vld [tilespmem:s15+$0x30]  }
0x27: {  	s12 =	smul.u32 $0x2040, s12;
	v4 =	vld [tilespmem:s15+$0xFFFFFFD0]  }
0x28: {  	v5 =	vld [tilespmem:s15+$0xFFFFFFE0]  }
0x29: {  	s31 =	sand.u32 $0x1, s10;
	s12 =	sshrl.u32 s12, $0x2;
	v2 =	vld [tilespmem:s15+$0xFFFFFFF0]  }
0x2a: {  	s13 =	smul.u32 $0x2040, s31;
	v3 =	vld [tilespmem:s15+$0x0];
	s12 =	sor.u32 $0x1007, s12  }
0x2b: {  	v1 =	vld [tilespmem:s15+$0x10];
	[tilespmem:s12+$0x0 ss:$0x81] =	vst.msk $0xffff, v0  }
0x2c: {  	s13 =	sshrl.u32 s13, $0x2;
	[tilespmem:s12+$0xFFFFFFFA ss:$0x81] =	vst.msk $0xffff, v4;
	v4 =	vld [tilespmem:s15+$0x20]  }
0x2d: {  	s14 =	simm.s32 $0x0;
	s13 =	sor.u32 $0x1000, s13;
	v0 =	vld [tilespmem:s15+$0xFFFFFFC0];
	[tilespmem:s12+$0xFFFFFFFB ss:$0x81] =	vst.msk $0xffff, v5;
	s15 =	sadd.s32 $0x80, s15  }
.LBB1_3:
0x2e: {  	v5 =	vld [tilespmem:s15+$0x30];
	s14 =	sadd.s32 $0x8, s14;
	[tilespmem:s12+$0xFFFFFFFC ss:$0x81] =	vst.msk $0xffff, v2  }
0x2f: {  	v6 =	vld [tilespmem:s15+$0xFFFFFFD0];
	p1 =	slt.u32 s14, $0x78;
	[tilespmem:s12+$0xFFFFFFFD ss:$0x81] =	vst.msk $0xffff, v3  }
0x30: {  	v7 =	vld [tilespmem:s15+$0xFFFFFFE0];
	[tilespmem:s12+$0xFFFFFFFE ss:$0x81] =	vst.msk $0xffff, v1  }
.Ltmp3:
0x31: {  	v2 =	vld [tilespmem:s15+$0xFFFFFFF0];
	[tilespmem:s12+$0xFFFFFFFF ss:$0x81] =	vst.msk $0xffff, v4;
	(pc) =	sbr.rel @p1 .LBB1_3-.Ltmp3, $4  }
0x32: {  	v3 =	vld [tilespmem:s15+$0x0];
	[tilespmem:s12+$0xFFFFFFF9 ss:$0x81] =	vst.msk $0xffff, v0;
	s12 =	sadd.s32 $0x8, s12  }
0x33: {  	v1 =	vld [tilespmem:s15+$0x10];
	[tilespmem:s12+$0x0 ss:$0x81] =	vst.msk $0xffff, v5  }
0x34: {  	[tilespmem:s12+$0xFFFFFFFA ss:$0x81] =	vst.msk $0xffff, v6;
	v4 =	vld [tilespmem:s15+$0x20]  }
0x35: {  	v0 =	vld [tilespmem:s15+$0xFFFFFFC0];
	[tilespmem:s12+$0xFFFFFFFB ss:$0x81] =	vst.msk $0xffff, v7;
	s15 =	sadd.s32 $0x80, s15  }
.Ltmp4:
0x36: {  	_ = 	snop;
	(pc) =	sbr.rel .LBB1_4-.Ltmp4, $1  }
0x37: {  	_ =	sdelay $0x3  }
.LBB1_6:
0x38: {  	_ =	sfence.sel $0x180000  }
0x39: {  	s2 =	simm.s32 $0x1;
	[bflag:$0x0] =	sbarrier.arrive $0xFFFF  }
0x3a: {  	s31 =	simm.s32 $0x2;
	[sflag:s2] =	ssyncpa.u1 $0x1  }
0x3b: {  	[sflag:s31] =	ssyncpa.u1 $0x1  }
0x3c: {  	p0 =	sne.s32 s0, $0x0;
	_ =	strace $0x90000047  }
0x3d: {  	s0 =	sadd.s32 @!p0 $0x100000, s1;
	[bflag:$0x2] =	sbarrier.arrive $0xFFFF  }
0x3e: {  	[sflag:s0] =	ssyncadd.tile.s32 @!p0 $0x1;
	_ =	shalt  }
.Lfunc_end1:
_tile_overlayer_lowered:
.L_overlay_start_2:
0x3f: {  	(tag) =	ssettag $0x2  }
0x40: {  	s0 =	rddreg [dreg:$0x0];
	s2 =	stileid.u32  }
0x41: {  	s1 =	rddreg [dreg:$0x1];
	p0 =	sne.s32 s2, $0x0  }
0x42: {  	s3 =	rddreg [dreg:$0x2];
	[bflag:$0x3] =	sbarrier.arrive $0xFFFF;
	s2 =	simm.s32 @!p0 $0x1C01  }
0x43: {  	[timem:s3], [sflag:s2] =	dma.local @!p0 [hbm:s0], s1  }
0x44: {  	s0 =	simm.s32 @!p0 $0x1  }
0x45: {  	_ =	swait.ge @!p0 [sflag:s0], s1  }
0x46: {  	s1 =	ssub.s32 @!p0 $0x0, s1;
	[sflag:s0] =	ssyncset.done @!p0 $0x0  }
0x47: {  	[sflag:s0] =	ssyncadd.s32 @!p0 s1  }
0x48: {  	[bflag:$0x3] =	sbarrier.arrive $0xFFFF  }
0x49: {  	_ =	shalt  }

</sc_bundles>
